<compile_context>
chip_gen: v7x
topology: tpu7x:2x2x1
jax: 0.10.2.dev20260603
libtpu: 0.0.44.dev20260713+nightly
codegen_flags: <defaults>
</compile_context>

<pallas_src>
import functools

import jax
import jax.numpy as jnp
from jax import lax
from jax.experimental import pallas as pl
from jax.experimental.pallas import tpu as pltpu
from jax.experimental.pallas import tpu_sc as plsc

D = 128
K = 32

_NC = 2
_NS = 16
_NW = _NC * _NS

_CH = 344


def _sc_gather(u2e, idx):
    R = idx.shape[0]
    r_per_w = R // _NW
    n_chunks = r_per_w // _CH
    mesh = plsc.VectorSubcoreMesh(core_axis_name="c", subcore_axis_name="s")

    @functools.partial(
        pl.kernel,
        mesh=mesh,
        out_type=jax.ShapeDtypeStruct((R, D), jnp.float32),
        scratch_types=[
            pltpu.VMEM((r_per_w,), jnp.int32),
            pltpu.VMEM((_CH, D), jnp.float32),
            pltpu.VMEM((_CH, D), jnp.float32),
            pltpu.SemaphoreType.DMA,
            pltpu.SemaphoreType.DMA,
            pltpu.SemaphoreType.DMA,
            pltpu.SemaphoreType.DMA,
        ],
    )
    def gather_k(u2e_hbm, idx_hbm, out_hbm, idx_all, rows0, rows1,
                 sg0, sg1, so0, so1):
        wid = lax.axis_index("s") * _NC + lax.axis_index("c")
        base = wid * r_per_w
        pltpu.sync_copy(idx_hbm.at[pl.ds(base, r_per_w)], idx_all)

        rows = (rows0, rows1)
        sg = (sg0, sg1)
        so = (so0, so1)

        def g_copy(i, b):
            return pltpu.make_async_copy(
                u2e_hbm.at[idx_all.at[pl.ds(i * _CH, _CH)]], rows[b], sg[b])

        def o_copy(i, b):
            return pltpu.make_async_copy(
                rows[b], out_hbm.at[pl.ds(base + i * _CH, _CH)], so[b])

        g_copy(0, 0).start()
        g_copy(1, 1).start()

        def body(p, carry):
            for b in range(2):
                i = 2 * p + b
                g_copy(i, b).wait()
                o_copy(i, b).start()
                o_copy(i, b).wait()
                g_copy(i + 2, b).start()
            return carry

        lax.fori_loop(0, n_chunks // 2 - 1, body, 0)

        for b in range(2):
            i = n_chunks - 2 + b
            g_copy(i, b).wait()
            o_copy(i, b).start()
            o_copy(i, b).wait()

    return gather_k(u2e, idx)


def _dense_body(eu_ref, ur_ref, gWt_ref, gWb_ref, gb_ref,
                a1t_ref, a1b_w_ref, a1b_ref, a2W_ref, a2b_ref, a3w_ref,
                out_ref):
    B = ur_ref.shape[0]
    eu = eu_ref[...]
    ur = ur_ref[...]

    sg = jnp.dot(ur, gWb_ref[...], preferred_element_type=jnp.float32) + gb_ref[...]
    sa = jnp.dot(ur, a1b_w_ref[...], preferred_element_type=jnp.float32) + a1b_ref[...]

    zg = jnp.dot(eu, gWt_ref[...], preferred_element_type=jnp.float32)
    eu3 = eu.reshape(B, K, D)
    g = jax.nn.sigmoid(zg.reshape(B, K, D) + sg[:, None, :])
    e_g3 = g * eu3 + (1.0 - g) * ur[:, None, :]

    x1 = jnp.dot(e_g3.reshape(B * K, D), a1t_ref[...],
                 preferred_element_type=jnp.float32)
    x1 = jnp.maximum(x1.reshape(B, K, D) + sa[:, None, :], 0.0).reshape(B * K, D)
    x2 = jnp.maximum(
        jnp.dot(x1, a2W_ref[...], preferred_element_type=jnp.float32) + a2b_ref[...],
        0.0)

    s = jnp.sum(x2.reshape(B, K, D) * a3w_ref[...][None, :, :], axis=-1)
    m = jnp.max(s, axis=1, keepdims=True)
    w = jnp.exp(s - m)
    att = w / jnp.sum(w, axis=1, keepdims=True)

    out_ref[...] = jnp.sum(e_g3 * att[:, :, None], axis=1)


def _dense_call(rows, gWt, gWb, gb, a1t, a1b_w, a1b, a2W, a2b, a3w,
                n_nodes, B, self_row0):
    grid = n_nodes // B
    full = lambda i: (0, 0)
    self_blk0 = self_row0 // B
    return pl.pallas_call(
        _dense_body,
        grid=(grid,),
        in_specs=[
            pl.BlockSpec((B * K, D), lambda i: (i, 0)),
            pl.BlockSpec((B, D), lambda i: (self_blk0 + i, 0)),
            pl.BlockSpec((D, D), full),
            pl.BlockSpec((D, D), full),
            pl.BlockSpec((1, D), full),
            pl.BlockSpec((D, D), full),
            pl.BlockSpec((D, D), full),
            pl.BlockSpec((1, D), full),
            pl.BlockSpec((D, D), full),
            pl.BlockSpec((1, D), full),
            pl.BlockSpec((1, D), full),
        ],
        out_specs=pl.BlockSpec((B, D), lambda i: (i, 0)),
        out_shape=jax.ShapeDtypeStruct((n_nodes, D), jnp.float32),
    )(rows, rows, gWt, gWb, gb, a1t, a1b_w, a1b, a2W, a2b, a3w)


def kernel(nodes, to_neighs, u2e, gate_W, gate_b, att1_W, att1_b,
           att2_W, att2_b, att3_W, att3_b):
    N = to_neighs.shape[0]
    n_rows = N * K
    total = n_rows + N
    pad = (-total) % (_NW * _CH)
    idx = jnp.concatenate([
        to_neighs.reshape(-1).astype(jnp.int32),
        nodes.astype(jnp.int32),
        jnp.zeros((pad,), jnp.int32),
    ])

    rows = _sc_gather(u2e, idx)

    gWt, gWb = gate_W[:D], gate_W[D:]
    a1t, a1b_w = att1_W[:D], att1_W[D:]
    gb = gate_b.reshape(1, D)
    a1b = att1_b.reshape(1, D)
    a2b = att2_b.reshape(1, D)
    a3w = att3_W.reshape(1, D)

    return _dense_call(rows, gWt, gWb, gb, a1t, a1b_w, a1b, att2_W, a2b, a3w,
                       n_nodes=N, B=200, self_row0=n_rows)

# --- scband reference (transcript-rebuilt; emitter-appended) ---
"""Pipeline reference for scband-social-aggregator-31069793419779 (READ-ONLY COPY).

The authoritative reference and input builder live on the scoring server;
editing this copy changes nothing except your own understanding.
"""

import jax, jax.numpy as jnp
import numpy as np

N_USERS = 100000
N_NODES = 10000
DEG = 32
D = 128


def setup_inputs(seed: int = 0) -> dict:
    key = jax.random.key(seed)
    ks = jax.random.split(key, 12)
    nodes = jax.random.randint(ks[0], (N_NODES,), 0, N_USERS)
    to_neighs = jax.random.randint(ks[1], (N_NODES, DEG), 0, N_USERS)
    u2e = jax.random.normal(ks[2], (N_USERS, D), dtype=jnp.float32) * 0.1
    gate_W = jax.random.normal(ks[3], (2 * D, D), dtype=jnp.float32) / np.sqrt(2 * D)
    gate_b = jnp.zeros((D,), dtype=jnp.float32)
    att1_W = jax.random.normal(ks[4], (2 * D, D), dtype=jnp.float32) / np.sqrt(2 * D)
    att1_b = jnp.zeros((D,), dtype=jnp.float32)
    att2_W = jax.random.normal(ks[5], (D, D), dtype=jnp.float32) / np.sqrt(D)
    att2_b = jnp.zeros((D,), dtype=jnp.float32)
    att3_W = jax.random.normal(ks[6], (D, 1), dtype=jnp.float32) / np.sqrt(D)
    att3_b = jnp.zeros((1,), dtype=jnp.float32)
    return {
        "nodes": nodes,
        "to_neighs": to_neighs,
        "u2e": u2e,
        "gate_W": gate_W,
        "gate_b": gate_b,
        "att1_W": att1_W,
        "att1_b": att1_b,
        "att2_W": att2_W,
        "att2_b": att2_b,
        "att3_W": att3_W,
        "att3_b": att3_b,
    }


def reference(nodes, to_neighs, u2e, gate_W, gate_b, att1_W, att1_b, att2_W, att2_b, att3_W, att3_b):
    # Gather neighbor and self embeddings (SparseCore-style gathers)
    e_u = jnp.take(u2e, to_neighs, axis=0)            # [N, K, D]
    u_rep = jnp.take(u2e, nodes, axis=0)              # [N, D]
    u_exp = jnp.broadcast_to(u_rep[:, None, :], e_u.shape)  # [N, K, D]

    # Gating: g_ij = sigmoid(Linear([e_u; u_rep]))
    gate_in = jnp.concatenate([e_u, u_exp], axis=-1)  # [N, K, 2D]
    g = jax.nn.sigmoid(gate_in @ gate_W + gate_b)     # [N, K, D]
    e_g = g * e_u + (1.0 - g) * u_exp                 # [N, K, D]

    # Attention MLP (GraphRec Attention): att3(relu(att2(relu(att1([e_g; u_rep])))))
    x = jnp.concatenate([e_g, u_exp], axis=-1)        # [N, K, 2D]
    x = jax.nn.relu(x @ att1_W + att1_b)              # [N, K, D]
    x = jax.nn.relu(x @ att2_W + att2_b)              # [N, K, D]
    x = x @ att3_W + att3_b                           # [N, K, 1]
    att = jax.nn.softmax(x, axis=1)                   # softmax over neighbors

    # att_history = (e_g^T @ att)^T  ==  sum_k att_k * e_g_k
    out = jnp.sum(e_g * att, axis=1)                  # [N, D]
    return out

if __name__ == "__main__":
    import jax
    _d = setup_inputs()
    print(jax.jit(kernel)(*tuple(_d.values())))

</pallas_src>

<mosaic_0001>
#map = affine_map<(d0, d1) -> (0, 0)>
#map1 = affine_map<(d0, d1) -> (0)>
module attributes {stable_mosaic.version = 14 : i64} {
  func.func @gather_k(%arg0: i32, %arg1: i32, %arg2: memref<100000x128xf32, #tpu.memory_space<hbm>>, %arg3: memref<330240xi32, #tpu.memory_space<hbm>>, %arg4: memref<330240x128xf32, #tpu.memory_space<hbm>>, %arg5: memref<10320xi32, #tpu.memory_space<vmem>>, %arg6: memref<344x128xf32, #tpu.memory_space<vmem>>, %arg7: memref<344x128xf32, #tpu.memory_space<vmem>>, %arg8: memref<!tpu.dma_semaphore, #tpu.memory_space<semaphore_mem>>, %arg9: memref<!tpu.dma_semaphore, #tpu.memory_space<semaphore_mem>>, %arg10: memref<!tpu.dma_semaphore, #tpu.memory_space<semaphore_mem>>, %arg11: memref<!tpu.dma_semaphore, #tpu.memory_space<semaphore_mem>>) attributes {dimension_semantics = [#tpu.dimension_semantics<core_parallel>, #tpu.dimension_semantics<subcore_parallel>], iteration_bounds = array<i64: 2, 16>, scalar_prefetch = 0 : i64, scratch_operands = 7 : i64, tpu.core_type = #tpu.core_type<sc_vector_subcore>, window_params = [{transform_indices = #map}, {transform_indices = #map1}, {transform_indices = #map}]} {
    %mul3A = arith.constant 2 : i32
    %mul3A_0 = arith.muli %arg1, %mul3A : i32
    %add3A = arith.addi %mul3A_0, %arg0 : i32
    %mul3A_1 = arith.constant 10320 : i32
    %mul3A_2 = arith.muli %add3A, %mul3A_1 : i32
    "tpu.region"() ({
      %run_scoped3A = tpu.sem_alloc : memref<!tpu.dma_semaphore, #tpu.memory_space<semaphore_mem>>
      %dma_start3A_50 = tpu.memref_slice %arg3[%mul3A_2] : memref<330240xi32, #tpu.memory_space<hbm>> -> memref<10320xi32, #tpu.memory_space<hbm>>
      %dma_start3A_51 = tpu.memref_slice %arg3[%mul3A_2] : memref<330240xi32, #tpu.memory_space<hbm>> -> memref<10320xi32, #tpu.memory_space<hbm>>
      tpu.enqueue_dma source(%dma_start3A_51 : memref<10320xi32, #tpu.memory_space<hbm>>) target(%arg5 : memref<10320xi32, #tpu.memory_space<vmem>>) target_semaphore(%run_scoped3A : memref<!tpu.dma_semaphore, #tpu.memory_space<semaphore_mem>>)
      %dma_wait3A_52 = tpu.memref_slice %arg3[%mul3A_2] : memref<330240xi32, #tpu.memory_space<hbm>> -> memref<10320xi32, #tpu.memory_space<hbm>>
      %dma_wait3A_53 = tpu.memref_slice %arg3[%mul3A_2] : memref<330240xi32, #tpu.memory_space<hbm>> -> memref<10320xi32, #tpu.memory_space<hbm>>
      tpu.wait_dma2 semaphore(%run_scoped3A : memref<!tpu.dma_semaphore, #tpu.memory_space<semaphore_mem>>) src(%dma_wait3A_53 : memref<10320xi32, #tpu.memory_space<hbm>>) dst(%arg5 : memref<10320xi32, #tpu.memory_space<vmem>>)
      tpu.yield
    }) : () -> ()
    %dma_start3A = arith.constant 0 : i32
    %dma_start3A_3 = tpu.memref_slice %arg5[%dma_start3A] : memref<10320xi32, #tpu.memory_space<vmem>> -> memref<344xi32, #tpu.memory_space<vmem>>
    %dma_start3A_4 = arith.constant 0 : i32
    %dma_start3A_5 = arith.constant 0 : i32
    %dma_start3A_6 = tpu.memref_slice %arg2[%dma_start3A_4, %dma_start3A_5] : memref<100000x128xf32, #tpu.memory_space<hbm>> -> memref<100000x128xf32, #tpu.memory_space<hbm>>
    tpu.enqueue_indirect_dma source(%dma_start3A_6 : memref<100000x128xf32, #tpu.memory_space<hbm>>) target(%arg6 : memref<344x128xf32, #tpu.memory_space<vmem>>) offsets(%dma_start3A_3 : memref<344xi32, #tpu.memory_space<vmem>>) semaphore(%arg8 : memref<!tpu.dma_semaphore, #tpu.memory_space<semaphore_mem>>)
    %dma_start3A_7 = arith.constant 344 : i32
    %dma_start3A_8 = tpu.memref_slice %arg5[%dma_start3A_7] : memref<10320xi32, #tpu.memory_space<vmem>> -> memref<344xi32, #tpu.memory_space<vmem>>
    %dma_start3A_9 = arith.constant 0 : i32
    %dma_start3A_10 = arith.constant 0 : i32
    %dma_start3A_11 = tpu.memref_slice %arg2[%dma_start3A_9, %dma_start3A_10] : memref<100000x128xf32, #tpu.memory_space<hbm>> -> memref<100000x128xf32, #tpu.memory_space<hbm>>
    tpu.enqueue_indirect_dma source(%dma_start3A_11 : memref<100000x128xf32, #tpu.memory_space<hbm>>) target(%arg7 : memref<344x128xf32, #tpu.memory_space<vmem>>) offsets(%dma_start3A_8 : memref<344xi32, #tpu.memory_space<vmem>>) semaphore(%arg9 : memref<!tpu.dma_semaphore, #tpu.memory_space<semaphore_mem>>)
    %scan3A = arith.constant 0 : i32
    %scan3A_12 = arith.constant 0 : i32
    %scan3A_13 = arith.constant 14 : i32
    %scan3A_14 = arith.addi %scan3A_12, %scan3A_13 : i32
    %scan3A_15 = arith.constant 1 : i32
    scf.for %scan3A_50 = %scan3A_12 to %scan3A_14 step %scan3A_15  : i32 {
      %mul3A_51 = arith.constant 2 : i32
      %mul3A_52 = arith.muli %mul3A_51, %scan3A_50 : i32
      %add3A_53 = arith.constant 0 : i32
      %add3A_54 = arith.addi %mul3A_52, %add3A_53 : i32
      %mul3A_55 = arith.constant 344 : i32
      %mul3A_56 = arith.muli %add3A_54, %mul3A_55 : i32
      %dma_wait3A_57 = tpu.memref_slice %arg5[%mul3A_56] : memref<10320xi32, #tpu.memory_space<vmem>> -> memref<344xi32, #tpu.memory_space<vmem>>
      %dma_wait3A_58 = arith.constant 0 : i32
      %dma_wait3A_59 = arith.constant 0 : i32
      %dma_wait3A_60 = tpu.memref_slice %arg2[%dma_wait3A_58, %dma_wait3A_59] : memref<100000x128xf32, #tpu.memory_space<hbm>> -> memref<100000x128xf32, #tpu.memory_space<hbm>>
      tpu.wait_indirect_dma semaphore(%arg8 : memref<!tpu.dma_semaphore, #tpu.memory_space<semaphore_mem>>) src(%dma_wait3A_60 : memref<100000x128xf32, #tpu.memory_space<hbm>>) dst(%arg6 : memref<344x128xf32, #tpu.memory_space<vmem>>)
      %mul3A_61 = arith.constant 344 : i32
      %mul3A_62 = arith.muli %add3A_54, %mul3A_61 : i32
      %add3A_63 = arith.addi %mul3A_2, %mul3A_62 : i32
      %dma_start3A_64 = arith.constant 0 : i32
      %dma_start3A_65 = tpu.memref_slice %arg4[%add3A_63, %dma_start3A_64] : memref<330240x128xf32, #tpu.memory_space<hbm>> -> memref<344x128xf32, #tpu.memory_space<hbm>>
      %dma_start3A_66 = arith.constant 0 : i32
      %dma_start3A_67 = tpu.memref_slice %arg4[%add3A_63, %dma_start3A_66] : memref<330240x128xf32, #tpu.memory_space<hbm>> -> memref<344x128xf32, #tpu.memory_space<hbm>>
      tpu.enqueue_dma source(%arg6 : memref<344x128xf32, #tpu.memory_space<vmem>>) target(%dma_start3A_67 : memref<344x128xf32, #tpu.memory_space<hbm>>) target_semaphore(%arg10 : memref<!tpu.dma_semaphore, #tpu.memory_space<semaphore_mem>>)
      %mul3A_68 = arith.constant 344 : i32
      %mul3A_69 = arith.muli %add3A_54, %mul3A_68 : i32
      %add3A_70 = arith.addi %mul3A_2, %mul3A_69 : i32
      %dma_wait3A_71 = arith.constant 0 : i32
      %dma_wait3A_72 = tpu.memref_slice %arg4[%add3A_70, %dma_wait3A_71] : memref<330240x128xf32, #tpu.memory_space<hbm>> -> memref<344x128xf32, #tpu.memory_space<hbm>>
      %dma_wait3A_73 = arith.constant 0 : i32
      %dma_wait3A_74 = tpu.memref_slice %arg4[%add3A_70, %dma_wait3A_73] : memref<330240x128xf32, #tpu.memory_space<hbm>> -> memref<344x128xf32, #tpu.memory_space<hbm>>
      tpu.wait_dma2 semaphore(%arg10 : memref<!tpu.dma_semaphore, #tpu.memory_space<semaphore_mem>>) src(%arg6 : memref<344x128xf32, #tpu.memory_space<vmem>>) dst(%dma_wait3A_74 : memref<344x128xf32, #tpu.memory_space<hbm>>)
      %add3A_75 = arith.constant 2 : i32
      %add3A_76 = arith.addi %add3A_54, %add3A_75 : i32
      %mul3A_77 = arith.constant 344 : i32
      %mul3A_78 = arith.muli %add3A_76, %mul3A_77 : i32
      %dma_start3A_79 = tpu.memref_slice %arg5[%mul3A_78] : memref<10320xi32, #tpu.memory_space<vmem>> -> memref<344xi32, #tpu.memory_space<vmem>>
      %dma_start3A_80 = arith.constant 0 : i32
      %dma_start3A_81 = arith.constant 0 : i32
      %dma_start3A_82 = tpu.memref_slice %arg2[%dma_start3A_80, %dma_start3A_81] : memref<100000x128xf32, #tpu.memory_space<hbm>> -> memref<100000x128xf32, #tpu.memory_space<hbm>>
      tpu.enqueue_indirect_dma source(%dma_start3A_82 : memref<100000x128xf32, #tpu.memory_space<hbm>>) target(%arg6 : memref<344x128xf32, #tpu.memory_space<vmem>>) offsets(%dma_start3A_79 : memref<344xi32, #tpu.memory_space<vmem>>) semaphore(%arg8 : memref<!tpu.dma_semaphore, #tpu.memory_space<semaphore_mem>>)
      %mul3A_83 = arith.constant 2 : i32
      %mul3A_84 = arith.muli %mul3A_83, %scan3A_50 : i32
      %add3A_85 = arith.constant 1 : i32
      %add3A_86 = arith.addi %mul3A_84, %add3A_85 : i32
      %mul3A_87 = arith.constant 344 : i32
      %mul3A_88 = arith.muli %add3A_86, %mul3A_87 : i32
      %dma_wait3A_89 = tpu.memref_slice %arg5[%mul3A_88] : memref<10320xi32, #tpu.memory_space<vmem>> -> memref<344xi32, #tpu.memory_space<vmem>>
      %dma_wait3A_90 = arith.constant 0 : i32
      %dma_wait3A_91 = arith.constant 0 : i32
      %dma_wait3A_92 = tpu.memref_slice %arg2[%dma_wait3A_90, %dma_wait3A_91] : memref<100000x128xf32, #tpu.memory_space<hbm>> -> memref<100000x128xf32, #tpu.memory_space<hbm>>
      tpu.wait_indirect_dma semaphore(%arg9 : memref<!tpu.dma_semaphore, #tpu.memory_space<semaphore_mem>>) src(%dma_wait3A_92 : memref<100000x128xf32, #tpu.memory_space<hbm>>) dst(%arg7 : memref<344x128xf32, #tpu.memory_space<vmem>>)
      %mul3A_93 = arith.constant 344 : i32
      %mul3A_94 = arith.muli %add3A_86, %mul3A_93 : i32
      %add3A_95 = arith.addi %mul3A_2, %mul3A_94 : i32
      %dma_start3A_96 = arith.constant 0 : i32
      %dma_start3A_97 = tpu.memref_slice %arg4[%add3A_95, %dma_start3A_96] : memref<330240x128xf32, #tpu.memory_space<hbm>> -> memref<344x128xf32, #tpu.memory_space<hbm>>
      %dma_start3A_98 = arith.constant 0 : i32
      %dma_start3A_99 = tpu.memref_slice %arg4[%add3A_95, %dma_start3A_98] : memref<330240x128xf32, #tpu.memory_space<hbm>> -> memref<344x128xf32, #tpu.memory_space<hbm>>
      tpu.enqueue_dma source(%arg7 : memref<344x128xf32, #tpu.memory_space<vmem>>) target(%dma_start3A_99 : memref<344x128xf32, #tpu.memory_space<hbm>>) target_semaphore(%arg11 : memref<!tpu.dma_semaphore, #tpu.memory_space<semaphore_mem>>)
      %mul3A_100 = arith.constant 344 : i32
      %mul3A_101 = arith.muli %add3A_86, %mul3A_100 : i32
      %add3A_102 = arith.addi %mul3A_2, %mul3A_101 : i32
      %dma_wait3A_103 = arith.constant 0 : i32
      %dma_wait3A_104 = tpu.memref_slice %arg4[%add3A_102, %dma_wait3A_103] : memref<330240x128xf32, #tpu.memory_space<hbm>> -> memref<344x128xf32, #tpu.memory_space<hbm>>
      %dma_wait3A_105 = arith.constant 0 : i32
      %dma_wait3A_106 = tpu.memref_slice %arg4[%add3A_102, %dma_wait3A_105] : memref<330240x128xf32, #tpu.memory_space<hbm>> -> memref<344x128xf32, #tpu.memory_space<hbm>>
      tpu.wait_dma2 semaphore(%arg11 : memref<!tpu.dma_semaphore, #tpu.memory_space<semaphore_mem>>) src(%arg7 : memref<344x128xf32, #tpu.memory_space<vmem>>) dst(%dma_wait3A_106 : memref<344x128xf32, #tpu.memory_space<hbm>>)
      %add3A_107 = arith.constant 2 : i32
      %add3A_108 = arith.addi %add3A_86, %add3A_107 : i32
      %mul3A_109 = arith.constant 344 : i32
      %mul3A_110 = arith.muli %add3A_108, %mul3A_109 : i32
      %dma_start3A_111 = tpu.memref_slice %arg5[%mul3A_110] : memref<10320xi32, #tpu.memory_space<vmem>> -> memref<344xi32, #tpu.memory_space<vmem>>
      %dma_start3A_112 = arith.constant 0 : i32
      %dma_start3A_113 = arith.constant 0 : i32
      %dma_start3A_114 = tpu.memref_slice %arg2[%dma_start3A_112, %dma_start3A_113] : memref<100000x128xf32, #tpu.memory_space<hbm>> -> memref<100000x128xf32, #tpu.memory_space<hbm>>
      tpu.enqueue_indirect_dma source(%dma_start3A_114 : memref<100000x128xf32, #tpu.memory_space<hbm>>) target(%arg7 : memref<344x128xf32, #tpu.memory_space<vmem>>) offsets(%dma_start3A_111 : memref<344xi32, #tpu.memory_space<vmem>>) semaphore(%arg9 : memref<!tpu.dma_semaphore, #tpu.memory_space<semaphore_mem>>)
    }
    %scan3A_16 = arith.constant 14 : i32
    %dma_wait3A = arith.constant 9632 : i32
    %dma_wait3A_17 = tpu.memref_slice %arg5[%dma_wait3A] : memref<10320xi32, #tpu.memory_space<vmem>> -> memref<344xi32, #tpu.memory_space<vmem>>
    %dma_wait3A_18 = arith.constant 0 : i32
    %dma_wait3A_19 = arith.constant 0 : i32
    %dma_wait3A_20 = tpu.memref_slice %arg2[%dma_wait3A_18, %dma_wait3A_19] : memref<100000x128xf32, #tpu.memory_space<hbm>> -> memref<100000x128xf32, #tpu.memory_space<hbm>>
    tpu.wait_indirect_dma semaphore(%arg8 : memref<!tpu.dma_semaphore, #tpu.memory_space<semaphore_mem>>) src(%dma_wait3A_20 : memref<100000x128xf32, #tpu.memory_space<hbm>>) dst(%arg6 : memref<344x128xf32, #tpu.memory_space<vmem>>)
    %add3A_21 = arith.constant 9632 : i32
    %add3A_22 = arith.addi %mul3A_2, %add3A_21 : i32
    %dma_start3A_23 = arith.constant 0 : i32
    %dma_start3A_24 = tpu.memref_slice %arg4[%add3A_22, %dma_start3A_23] : memref<330240x128xf32, #tpu.memory_space<hbm>> -> memref<344x128xf32, #tpu.memory_space<hbm>>
    %dma_start3A_25 = arith.constant 0 : i32
    %dma_start3A_26 = tpu.memref_slice %arg4[%add3A_22, %dma_start3A_25] : memref<330240x128xf32, #tpu.memory_space<hbm>> -> memref<344x128xf32, #tpu.memory_space<hbm>>
    tpu.enqueue_dma source(%arg6 : memref<344x128xf32, #tpu.memory_space<vmem>>) target(%dma_start3A_26 : memref<344x128xf32, #tpu.memory_space<hbm>>) target_semaphore(%arg10 : memref<!tpu.dma_semaphore, #tpu.memory_space<semaphore_mem>>)
    %add3A_27 = arith.constant 9632 : i32
    %add3A_28 = arith.addi %mul3A_2, %add3A_27 : i32
    %dma_wait3A_29 = arith.constant 0 : i32
    %dma_wait3A_30 = tpu.memref_slice %arg4[%add3A_28, %dma_wait3A_29] : memref<330240x128xf32, #tpu.memory_space<hbm>> -> memref<344x128xf32, #tpu.memory_space<hbm>>
    %dma_wait3A_31 = arith.constant 0 : i32
    %dma_wait3A_32 = tpu.memref_slice %arg4[%add3A_28, %dma_wait3A_31] : memref<330240x128xf32, #tpu.memory_space<hbm>> -> memref<344x128xf32, #tpu.memory_space<hbm>>
    tpu.wait_dma2 semaphore(%arg10 : memref<!tpu.dma_semaphore, #tpu.memory_space<semaphore_mem>>) src(%arg6 : memref<344x128xf32, #tpu.memory_space<vmem>>) dst(%dma_wait3A_32 : memref<344x128xf32, #tpu.memory_space<hbm>>)
    %dma_wait3A_33 = arith.constant 9976 : i32
    %dma_wait3A_34 = tpu.memref_slice %arg5[%dma_wait3A_33] : memref<10320xi32, #tpu.memory_space<vmem>> -> memref<344xi32, #tpu.memory_space<vmem>>
    %dma_wait3A_35 = arith.constant 0 : i32
    %dma_wait3A_36 = arith.constant 0 : i32
    %dma_wait3A_37 = tpu.memref_slice %arg2[%dma_wait3A_35, %dma_wait3A_36] : memref<100000x128xf32, #tpu.memory_space<hbm>> -> memref<100000x128xf32, #tpu.memory_space<hbm>>
    tpu.wait_indirect_dma semaphore(%arg9 : memref<!tpu.dma_semaphore, #tpu.memory_space<semaphore_mem>>) src(%dma_wait3A_37 : memref<100000x128xf32, #tpu.memory_space<hbm>>) dst(%arg7 : memref<344x128xf32, #tpu.memory_space<vmem>>)
    %add3A_38 = arith.constant 9976 : i32
    %add3A_39 = arith.addi %mul3A_2, %add3A_38 : i32
    %dma_start3A_40 = arith.constant 0 : i32
    %dma_start3A_41 = tpu.memref_slice %arg4[%add3A_39, %dma_start3A_40] : memref<330240x128xf32, #tpu.memory_space<hbm>> -> memref<344x128xf32, #tpu.memory_space<hbm>>
    %dma_start3A_42 = arith.constant 0 : i32
    %dma_start3A_43 = tpu.memref_slice %arg4[%add3A_39, %dma_start3A_42] : memref<330240x128xf32, #tpu.memory_space<hbm>> -> memref<344x128xf32, #tpu.memory_space<hbm>>
    tpu.enqueue_dma source(%arg7 : memref<344x128xf32, #tpu.memory_space<vmem>>) target(%dma_start3A_43 : memref<344x128xf32, #tpu.memory_space<hbm>>) target_semaphore(%arg11 : memref<!tpu.dma_semaphore, #tpu.memory_space<semaphore_mem>>)
    %add3A_44 = arith.constant 9976 : i32
    %add3A_45 = arith.addi %mul3A_2, %add3A_44 : i32
    %dma_wait3A_46 = arith.constant 0 : i32
    %dma_wait3A_47 = tpu.memref_slice %arg4[%add3A_45, %dma_wait3A_46] : memref<330240x128xf32, #tpu.memory_space<hbm>> -> memref<344x128xf32, #tpu.memory_space<hbm>>
    %dma_wait3A_48 = arith.constant 0 : i32
    %dma_wait3A_49 = tpu.memref_slice %arg4[%add3A_45, %dma_wait3A_48] : memref<330240x128xf32, #tpu.memory_space<hbm>> -> memref<344x128xf32, #tpu.memory_space<hbm>>
    tpu.wait_dma2 semaphore(%arg11 : memref<!tpu.dma_semaphore, #tpu.memory_space<semaphore_mem>>) src(%arg7 : memref<344x128xf32, #tpu.memory_space<vmem>>) dst(%dma_wait3A_49 : memref<344x128xf32, #tpu.memory_space<hbm>>)
    return
  }
}

module attributes {stable_mosaic.version = 14 : i64} {
  func.func @_dense_body(%arg0: i32, %arg1: memref<6400x128xf32, #tpu.memory_space<vmem>>, %arg2: memref<200x128xf32, #tpu.memory_space<vmem>>, %arg3: memref<128x128xf32, #tpu.memory_space<vmem>>, %arg4: memref<128x128xf32, #tpu.memory_space<vmem>>, %arg5: memref<1x128xf32, #tpu.memory_space<vmem>>, %arg6: memref<128x128xf32, #tpu.memory_space<vmem>>, %arg7: memref<128x128xf32, #tpu.memory_space<vmem>>, %arg8: memref<1x128xf32, #tpu.memory_space<vmem>>, %arg9: memref<128x128xf32, #tpu.memory_space<vmem>>, %arg10: memref<1x128xf32, #tpu.memory_space<vmem>>, %arg11: memref<1x128xf32, #tpu.memory_space<vmem>>, %arg12: memref<200x128xf32, #tpu.memory_space<vmem>>) attributes {dimension_semantics = [#tpu.dimension_semantics<arbitrary>], iteration_bounds = array<i64: 50>, scalar_prefetch = 0 : i64, scratch_operands = 0 : i64, tpu.core_type = #tpu.core_type<tc>, window_params = [{transform_indices = @transform_0, window_bounds = array<i64: 6400, 128>}, {transform_indices = @transform_1, window_bounds = array<i64: 200, 128>}, {pipeline_mode = #tpu.pipeline_mode<synchronous>, transform_indices = @transform_2, window_bounds = array<i64: 128, 128>}, {pipeline_mode = #tpu.pipeline_mode<synchronous>, transform_indices = @transform_3, window_bounds = array<i64: 128, 128>}, {pipeline_mode = #tpu.pipeline_mode<synchronous>, transform_indices = @transform_4, window_bounds = array<i64: 1, 128>}, {pipeline_mode = #tpu.pipeline_mode<synchronous>, transform_indices = @transform_5, window_bounds = array<i64: 128, 128>}, {pipeline_mode = #tpu.pipeline_mode<synchronous>, transform_indices = @transform_6, window_bounds = array<i64: 128, 128>}, {pipeline_mode = #tpu.pipeline_mode<synchronous>, transform_indices = @transform_7, window_bounds = array<i64: 1, 128>}, {pipeline_mode = #tpu.pipeline_mode<synchronous>, transform_indices = @transform_8, window_bounds = array<i64: 128, 128>}, {pipeline_mode = #tpu.pipeline_mode<synchronous>, transform_indices = @transform_9, window_bounds = array<i64: 1, 128>}, {pipeline_mode = #tpu.pipeline_mode<synchronous>, transform_indices = @transform_10, window_bounds = array<i64: 1, 128>}, {transform_indices = @transform_11, window_bounds = array<i64: 200, 128>}]} {
    %get3A = arith.constant 0 : index
    %get3A_0 = arith.constant 0 : index
    %get3A_1 = vector.load %arg1[%get3A, %get3A_0] : memref<6400x128xf32, #tpu.memory_space<vmem>>, vector<6400x128xf32>
    %get3A_2 = arith.constant 0 : index
    %get3A_3 = arith.constant 0 : index
    %get3A_4 = vector.load %arg2[%get3A_2, %get3A_3] : memref<200x128xf32, #tpu.memory_space<vmem>>, vector<200x128xf32>
    %get3A_5 = arith.constant 0 : index
    %get3A_6 = arith.constant 0 : index
    %get3A_7 = vector.load %arg4[%get3A_5, %get3A_6] : memref<128x128xf32, #tpu.memory_space<vmem>>, vector<128x128xf32>
    %dot_general3A = arith.constant dense<0.000000e+00> : vector<200x128xf32>
    %dot_general3A_8 = tpu.matmul %get3A_4, %get3A_7, %dot_general3A {dimension_numbers = #tpu.dot_dimension_numbers<[1], [0], [0], [1], [0, 0, 1, 1], [], []>, transpose_lhs_hint = false} : vector<200x128xf32>, vector<128x128xf32>, vector<200x128xf32> -> vector<200x128xf32>
    %get3A_9 = arith.constant 0 : index
    %get3A_10 = arith.constant 0 : index
    %get3A_11 = vector.load %arg5[%get3A_9, %get3A_10] : memref<1x128xf32, #tpu.memory_space<vmem>>, vector<1x128xf32>
    %add3A = vector.broadcast %get3A_11 : vector<1x128xf32> to vector<200x128xf32>
    %add3A_12 = arith.addf %dot_general3A_8, %add3A : vector<200x128xf32>
    %get3A_13 = arith.constant 0 : index
    %get3A_14 = arith.constant 0 : index
    %get3A_15 = vector.load %arg7[%get3A_13, %get3A_14] : memref<128x128xf32, #tpu.memory_space<vmem>>, vector<128x128xf32>
    %dot_general3A_16 = arith.constant dense<0.000000e+00> : vector<200x128xf32>
    %dot_general3A_17 = tpu.matmul %get3A_4, %get3A_15, %dot_general3A_16 {dimension_numbers = #tpu.dot_dimension_numbers<[1], [0], [0], [1], [0, 0, 1, 1], [], []>, transpose_lhs_hint = false} : vector<200x128xf32>, vector<128x128xf32>, vector<200x128xf32> -> vector<200x128xf32>
    %get3A_18 = arith.constant 0 : index
    %get3A_19 = arith.constant 0 : index
    %get3A_20 = vector.load %arg8[%get3A_18, %get3A_19] : memref<1x128xf32, #tpu.memory_space<vmem>>, vector<1x128xf32>
    %add3A_21 = vector.broadcast %get3A_20 : vector<1x128xf32> to vector<200x128xf32>
    %add3A_22 = arith.addf %dot_general3A_17, %add3A_21 : vector<200x128xf32>
    %get3A_23 = arith.constant 0 : index
    %get3A_24 = arith.constant 0 : index
    %get3A_25 = vector.load %arg3[%get3A_23, %get3A_24] : memref<128x128xf32, #tpu.memory_space<vmem>>, vector<128x128xf32>
    %dot_general3A_26 = arith.constant dense<0.000000e+00> : vector<6400x128xf32>
    %dot_general3A_27 = tpu.matmul %get3A_1, %get3A_25, %dot_general3A_26 {dimension_numbers = #tpu.dot_dimension_numbers<[1], [0], [0], [1], [0, 0, 1, 1], [], []>, transpose_lhs_hint = false} : vector<6400x128xf32>, vector<128x128xf32>, vector<6400x128xf32> -> vector<6400x128xf32>
    %reshape3A = vector.shape_cast %get3A_1 : vector<6400x128xf32> to vector<200x32x128xf32>
    %reshape3A_28 = vector.shape_cast %dot_general3A_27 : vector<6400x128xf32> to vector<200x32x128xf32>
    %broadcast_in_dim3A = vector.shape_cast %add3A_12 : vector<200x128xf32> to vector<200x1x128xf32>
    %add3A_29 = vector.broadcast %broadcast_in_dim3A : vector<200x1x128xf32> to vector<200x32x128xf32>
    %add3A_30 = arith.addf %reshape3A_28, %add3A_29 : vector<200x32x128xf32>
    %logistic3A = arith.negf %add3A_30 : vector<200x32x128xf32>
    %logistic3A_31 = math.exp %logistic3A : vector<200x32x128xf32>
    %logistic3A_32 = arith.constant 1.000000e+00 : f32
    %logistic3A_33 = vector.broadcast %logistic3A_32 : f32 to vector<200x32x128xf32>
    %logistic3A_34 = arith.addf %logistic3A_33, %logistic3A_31 : vector<200x32x128xf32>
    %logistic3A_35 = arith.divf %logistic3A_33, %logistic3A_34 : vector<200x32x128xf32>
    %mul3A = arith.mulf %logistic3A_35, %reshape3A : vector<200x32x128xf32>
    %sub3A = arith.constant 1.000000e+00 : f32
    %sub3A_36 = vector.broadcast %sub3A : f32 to vector<200x32x128xf32>
    %sub3A_37 = arith.subf %sub3A_36, %logistic3A_35 : vector<200x32x128xf32>
    %broadcast_in_dim3A_38 = vector.shape_cast %get3A_4 : vector<200x128xf32> to vector<200x1x128xf32>
    %mul3A_39 = vector.broadcast %broadcast_in_dim3A_38 : vector<200x1x128xf32> to vector<200x32x128xf32>
    %mul3A_40 = arith.mulf %sub3A_37, %mul3A_39 : vector<200x32x128xf32>
    %add3A_41 = arith.addf %mul3A, %mul3A_40 : vector<200x32x128xf32>
    %reshape3A_42 = vector.shape_cast %add3A_41 : vector<200x32x128xf32> to vector<6400x128xf32>
    %get3A_43 = arith.constant 0 : index
    %get3A_44 = arith.constant 0 : index
    %get3A_45 = vector.load %arg6[%get3A_43, %get3A_44] : memref<128x128xf32, #tpu.memory_space<vmem>>, vector<128x128xf32>
    %dot_general3A_46 = arith.constant dense<0.000000e+00> : vector<6400x128xf32>
    %dot_general3A_47 = tpu.matmul %reshape3A_42, %get3A_45, %dot_general3A_46 {dimension_numbers = #tpu.dot_dimension_numbers<[1], [0], [0], [1], [0, 0, 1, 1], [], []>, transpose_lhs_hint = false} : vector<6400x128xf32>, vector<128x128xf32>, vector<6400x128xf32> -> vector<6400x128xf32>
    %reshape3A_48 = vector.shape_cast %dot_general3A_47 : vector<6400x128xf32> to vector<200x32x128xf32>
    %broadcast_in_dim3A_49 = vector.shape_cast %add3A_22 : vector<200x128xf32> to vector<200x1x128xf32>
    %add3A_50 = vector.broadcast %broadcast_in_dim3A_49 : vector<200x1x128xf32> to vector<200x32x128xf32>
    %add3A_51 = arith.addf %reshape3A_48, %add3A_50 : vector<200x32x128xf32>
    %max3A = arith.constant 0.000000e+00 : f32
    %max3A_52 = vector.broadcast %max3A : f32 to vector<200x32x128xf32>
    %max3A_53 = arith.maximumf %add3A_51, %max3A_52 : vector<200x32x128xf32>
    %reshape3A_54 = vector.shape_cast %max3A_53 : vector<200x32x128xf32> to vector<6400x128xf32>
    %get3A_55 = arith.constant 0 : index
    %get3A_56 = arith.constant 0 : index
    %get3A_57 = vector.load %arg9[%get3A_55, %get3A_56] : memref<128x128xf32, #tpu.memory_space<vmem>>, vector<128x128xf32>
    %dot_general3A_58 = arith.constant dense<0.000000e+00> : vector<6400x128xf32>
    %dot_general3A_59 = tpu.matmul %reshape3A_54, %get3A_57, %dot_general3A_58 {dimension_numbers = #tpu.dot_dimension_numbers<[1], [0], [0], [1], [0, 0, 1, 1], [], []>, transpose_lhs_hint = false} : vector<6400x128xf32>, vector<128x128xf32>, vector<6400x128xf32> -> vector<6400x128xf32>
    %get3A_60 = arith.constant 0 : index
    %get3A_61 = arith.constant 0 : index
    %get3A_62 = vector.load %arg10[%get3A_60, %get3A_61] : memref<1x128xf32, #tpu.memory_space<vmem>>, vector<1x128xf32>
    %add3A_63 = vector.broadcast %get3A_62 : vector<1x128xf32> to vector<6400x128xf32>
    %add3A_64 = arith.addf %dot_general3A_59, %add3A_63 : vector<6400x128xf32>
    %max3A_65 = arith.constant 0.000000e+00 : f32
    %max3A_66 = vector.broadcast %max3A_65 : f32 to vector<6400x128xf32>
    %max3A_67 = arith.maximumf %add3A_64, %max3A_66 : vector<6400x128xf32>
    %reshape3A_68 = vector.shape_cast %max3A_67 : vector<6400x128xf32> to vector<200x32x128xf32>
    %get3A_69 = arith.constant 0 : index
    %get3A_70 = arith.constant 0 : index
    %get3A_71 = vector.load %arg11[%get3A_69, %get3A_70] : memref<1x128xf32, #tpu.memory_space<vmem>>, vector<1x128xf32>
    %broadcast_in_dim3A_72 = vector.shape_cast %get3A_71 : vector<1x128xf32> to vector<1x1x128xf32>
    %mul3A_73 = vector.broadcast %broadcast_in_dim3A_72 : vector<1x1x128xf32> to vector<200x32x128xf32>
    %mul3A_74 = arith.mulf %reshape3A_68, %mul3A_73 : vector<200x32x128xf32>
    %reduce_sum3A = arith.constant dense<0.000000e+00> : vector<200x32xf32>
    %reduce_sum3A_75 = vector.multi_reduction <add>, %mul3A_74, %reduce_sum3A [2] : vector<200x32x128xf32> to vector<200x32xf32>
    %reduce_max3A = arith.constant dense<0xFF800000> : vector<200xf32>
    %reduce_max3A_76 = vector.multi_reduction <maximumf>, %reduce_sum3A_75, %reduce_max3A [1] : vector<200x32xf32> to vector<200xf32>
    %broadcast_in_dim3A_77 = vector.shape_cast %reduce_max3A_76 : vector<200xf32> to vector<200x1xf32>
    %sub3A_78 = vector.broadcast %broadcast_in_dim3A_77 : vector<200x1xf32> to vector<200x32xf32>
    %sub3A_79 = arith.subf %reduce_sum3A_75, %sub3A_78 : vector<200x32xf32>
    %exp3A = math.exp %sub3A_79 : vector<200x32xf32>
    %reduce_sum3A_80 = arith.constant dense<0.000000e+00> : vector<200xf32>
    %reduce_sum3A_81 = vector.multi_reduction <add>, %exp3A, %reduce_sum3A_80 [1] : vector<200x32xf32> to vector<200xf32>
    %broadcast_in_dim3A_82 = vector.shape_cast %reduce_sum3A_81 : vector<200xf32> to vector<200x1xf32>
    %div3A = vector.broadcast %broadcast_in_dim3A_82 : vector<200x1xf32> to vector<200x32xf32>
    %div3A_83 = arith.divf %exp3A, %div3A : vector<200x32xf32>
    %broadcast_in_dim3A_84 = vector.shape_cast %div3A_83 : vector<200x32xf32> to vector<200x32x1xf32>
    %mul3A_85 = vector.broadcast %broadcast_in_dim3A_84 : vector<200x32x1xf32> to vector<200x32x128xf32>
    %mul3A_86 = arith.mulf %add3A_41, %mul3A_85 : vector<200x32x128xf32>
    %reduce_sum3A_87 = arith.constant dense<0.000000e+00> : vector<200x128xf32>
    %reduce_sum3A_88 = vector.multi_reduction <add>, %mul3A_86, %reduce_sum3A_87 [1] : vector<200x32x128xf32> to vector<200x128xf32>
    %swap3A = arith.constant 0 : index
    %swap3A_89 = arith.constant 0 : index
    %swap3A_90 = vector.load %arg12[%swap3A, %swap3A_89] : memref<200x128xf32, #tpu.memory_space<vmem>>, vector<200x128xf32>
    tpu.vector_store %arg12[%swap3A, %swap3A_89], %reduce_sum3A_88 {strides = array<i32>} : memref<200x128xf32, #tpu.memory_space<vmem>>, vector<200x128xf32>,
    return
  }
  func.func @transform_0(%arg0: i32) -> (i32, i32) {
    %c0_i32 = arith.constant 0 : i32
    %c0_i32_0 = arith.constant 0 : i32
    return %arg0, %c0_i32 : i32, i32
  }
  func.func @transform_1(%arg0: i32) -> (i32, i32) {
    %add3A = arith.constant 1600 : i32
    %add3A_0 = arith.addi %add3A, %arg0 : i32
    %c0_i32 = arith.constant 0 : i32
    %c0_i32_1 = arith.constant 0 : i32
    return %add3A_0, %c0_i32 : i32, i32
  }
  func.func @transform_2(%arg0: i32) -> (i32, i32) {
    %c0_i32 = arith.constant 0 : i32
    %c0_i32_0 = arith.constant 0 : i32
    %c0_i32_1 = arith.constant 0 : i32
    return %c0_i32, %c0_i32_0 : i32, i32
  }
  func.func @transform_3(%arg0: i32) -> (i32, i32) {
    %c0_i32 = arith.constant 0 : i32
    %c0_i32_0 = arith.constant 0 : i32
    %c0_i32_1 = arith.constant 0 : i32
    return %c0_i32, %c0_i32_0 : i32, i32
  }
  func.func @transform_4(%arg0: i32) -> (i32, i32) {
    %c0_i32 = arith.constant 0 : i32
    %c0_i32_0 = arith.constant 0 : i32
    %c0_i32_1 = arith.constant 0 : i32
    return %c0_i32, %c0_i32_0 : i32, i32
  }
  func.func @transform_5(%arg0: i32) -> (i32, i32) {
    %c0_i32 = arith.constant 0 : i32
    %c0_i32_0 = arith.constant 0 : i32
    %c0_i32_1 = arith.constant 0 : i32
    return %c0_i32, %c0_i32_0 : i32, i32
  }
  func.func @transform_6(%arg0: i32) -> (i32, i32) {
    %c0_i32 = arith.constant 0 : i32
    %c0_i32_0 = arith.constant 0 : i32
    %c0_i32_1 = arith.constant 0 : i32
    return %c0_i32, %c0_i32_0 : i32, i32
  }
  func.func @transform_7(%arg0: i32) -> (i32, i32) {
    %c0_i32 = arith.constant 0 : i32
    %c0_i32_0 = arith.constant 0 : i32
    %c0_i32_1 = arith.constant 0 : i32
    return %c0_i32, %c0_i32_0 : i32, i32
  }
  func.func @transform_8(%arg0: i32) -> (i32, i32) {
    %c0_i32 = arith.constant 0 : i32
    %c0_i32_0 = arith.constant 0 : i32
    %c0_i32_1 = arith.constant 0 : i32
    return %c0_i32, %c0_i32_0 : i32, i32
  }
  func.func @transform_9(%arg0: i32) -> (i32, i32) {
    %c0_i32 = arith.constant 0 : i32
    %c0_i32_0 = arith.constant 0 : i32
    %c0_i32_1 = arith.constant 0 : i32
    return %c0_i32, %c0_i32_0 : i32, i32
  }
  func.func @transform_10(%arg0: i32) -> (i32, i32) {
    %c0_i32 = arith.constant 0 : i32
    %c0_i32_0 = arith.constant 0 : i32
    %c0_i32_1 = arith.constant 0 : i32
    return %c0_i32, %c0_i32_0 : i32, i32
  }
  func.func @transform_11(%arg0: i32) -> (i32, i32) {
    %c0_i32 = arith.constant 0 : i32
    %c0_i32_0 = arith.constant 0 : i32
    return %arg0, %c0_i32 : i32, i32
  }
}

</mosaic_0001>

<sc_bundles>
// kernel: kernel.4.cloned.1.call-start
scs
__scs_entry_jumppad:
0x0: {  	(pc) =	sbr.rel $0x88, $3  }
0x1: {  	(tag) =	ssettag $0x0;
	lr =	simm.s32 $0x1  }
0x2: {  	[smem:$0x3F97] =	sst lr;
	_ =	strace $0xD0000000  }
0x3: {  	_ = 	snop  }
0x4: {  	_ = 	snop  }
0x5: {  	_ = 	snop  }
0x6: {  	_ = 	snop  }
0x7: {  	_ = 	snop  }
__scs_overlays_trampoline_lowered:
0x8: {  	[smem:$0x3FA6] =	sst s0  }
0x9: {  	[smem:$0x3FA7] =	sst s1  }
0xa: {  	[smem:$0x3FA8] =	sst s2  }
0xb: {  	[smem:$0x3FA9] =	sst s3  }
0xc: {  	[smem:$0x3FAA] =	sst s4  }
0xd: {  	[smem:$0x3FAB] =	sst s5  }
0xe: {  	[smem:$0x3FAC] =	sst s6  }
0xf: {  	[smem:$0x3FAD] =	sst s7  }
0x10: {  	[smem:$0x3FAE] =	sst s8  }
0x11: {  	[smem:$0x3FAF] =	sst s9;
	s0 =	simm.s32 @!p0 $0x0  }
0x12: {  	s1 =	sld [smem:$0x3F95];
	s0 =	simm.s32 @p0 $0x1  }
0x13: {  	[smem:$0x3FB0] =	sst s0;
	s0 =	simm.s32 @!p1 $0x0  }
0x14: {  	s2 =	sld [smem:$0x3F94];
	s0 =	simm.s32 @p1 $0x1  }
0x15: {  	[smem:$0x3FB1] =	sst s0;
	s0 =	simm.s32 @!p2 $0x0  }
0x16: {  	s3 =	sld [smem:$0x3FDB];
	s0 =	simm.s32 @p2 $0x1  }
0x17: {  	s4 =	simm.s32 $0x1BF5;
	[smem:$0x3FB3] =	sst s0  }
0x18: {  	s0 =	sld [smem:$0x3F96];
	_ =	swait.ge [sflag:s4], $0x0  }
0x19: {  	s7 =	sld [smem:$0x3F97]  }
0x1a: {  	s8 =	sadd.s32 $0xFFFFE003, lr  }
0x1b: {  	s9 =	sadd.s32 $0xFFFFFEF7, lr;
	s5 =	simm.s32 $0xFFFFFFFF;
	p2 =	slt.u32 s8, $0xFFFFF086  }
0x1c: {  	p1 =	slt.u32 s9, $0xF7A;
	s5 =	simm.s32 @!p2 $0x0  }
0x1d: {  	s5 =	simm.s32 @p1 $0x1;
	p0 =	seq.s32 s7, s2  }
0x1e: {  	s7 =	smul.u32 @!p0 $0xF7A, s2;
	p2 =	seq.s32 @!p0 s5, $0x0  }
0x1f: {  	s9 =	smul.u32 $0xF7A, s1;
	s8 =	simm.s32 @!p0 $0x1BF5;
	p2 =	por !p2, p0  }
0x20: {  	[sflag:s8] =	ssyncset.s32 @!p0 $0xFFFFF086;
	s6 =	sadd.s32 @!p0 s3, s7;
	s7 =	simm.s32 @!p0 $0x108  }
0x21: {  	s3 =	sadd.s32 s3, s9;
	s6 =	sadd.s32 @!p0 $0x88, s6;
	s7 =	simm.s32 @p2 $0x1082  }
0x22: {  	[simem:s7], [sflag:s8] =	dma.local @!p0 [hbm:s6], $0xF7A  }
0x23: {  	s9 =	sor.u32 $0xD0000000, s2;
	s6 =	simm.s32 $0x108;
	_ =	swait.ge @!p0 [sflag:s8], $0x0  }
0x24: {  	s3 =	sadd.s32 $0x88, s3;
	s6 =	simm.s32 @!p1 $0x1082;
	[sflag:s4] =	ssyncset.s32 $0xFFFFF086  }
0x25: {  	[simem:s6], [sflag:s4] =	dma.local [hbm:s3], $0xF7A  }
0x26: {  	[smem:$0x3F97] =	sst s1;
	(tag) =	ssettag s2;
	_ =	strace s9  }
0x27: {  	s1 =	sld [smem:$0x3FA7]  }
0x28: {  	s2 =	sld [smem:$0x3FA8]  }
0x29: {  	s4 =	sld [smem:$0x3FAA]  }
0x2a: {  	p0 =	seq.s32 s5, $0x0;
	s5 =	sld [smem:$0x3FAB]  }
0x2b: {  	s6 =	sld [smem:$0x3FAC]  }
0x2c: {  	s7 =	sld [smem:$0x3FAD]  }
0x2d: {  	s3 =	simm.s32 $0x108;
	s8 =	sld [smem:$0x3FAE]  }
0x2e: {  	s3 =	simm.s32 @!p0 $0x1082;
	s9 =	sld [smem:$0x3FAF]  }
0x2f: {  	lr =	sadd.s32 s0, s3;
	s0 =	sld [smem:$0x3FA6]  }
0x30: {  	s3 =	sld [smem:$0x3FA9]  }
0x31: {  	[smem:$0x3FB2] =	sst s10  }
0x32: {  	s10 =	sld [smem:$0x3FB0];
	_ =	sdelay $0x3  }
0x33: {  	p0 =	seq.s32 s10, $0x1;
	s10 =	sld [smem:$0x3FB2];
	_ =	sdelay $0x3  }
0x34: {  	[smem:$0x3FB2] =	sst s10  }
0x35: {  	s10 =	sld [smem:$0x3FB1];
	_ =	sdelay $0x3  }
0x36: {  	p1 =	seq.s32 s10, $0x1;
	s10 =	sld [smem:$0x3FB2];
	_ =	sdelay $0x3  }
0x37: {  	[smem:$0x3FB2] =	sst s10  }
0x38: {  	s10 =	sld [smem:$0x3FB3]  }
0x39: {  	_ = 	snop;
	(pc) =	sbr.ind lr, $3  }
0x3a: {  	_ = 	snop  }
0x3b: {  	_ = 	snop  }
0x3c: {  	p2 =	seq.s32 s10, $0x1;
	s10 =	sld [smem:$0x3FB2]  }
0x3d: {  	_ =	shalt  }
0x3e: {  	_ =	shalt  }
0x3f: {  	_ =	shalt  }
0x40: {  	_ =	shalt  }
0x41: {  	_ =	shalt  }
0x42: {  	_ =	shalt  }
0x43: {  	_ =	shalt  }
0x44: {  	_ =	shalt  }
0x45: {  	_ =	shalt  }
0x46: {  	_ =	shalt  }
0x47: {  	_ =	shalt  }
0x48: {  	_ =	shalt  }
0x49: {  	_ =	shalt  }
0x4a: {  	_ =	shalt  }
0x4b: {  	_ =	shalt  }
0x4c: {  	_ =	shalt  }
0x4d: {  	_ =	shalt  }
0x4e: {  	_ =	shalt  }
0x4f: {  	_ =	shalt  }
0x50: {  	_ =	shalt  }
0x51: {  	_ =	shalt  }
0x52: {  	_ =	shalt  }
0x53: {  	_ =	shalt  }
0x54: {  	_ =	shalt  }
0x55: {  	_ =	shalt  }
0x56: {  	_ =	shalt  }
0x57: {  	_ =	shalt  }
0x58: {  	_ =	shalt  }
0x59: {  	_ =	shalt  }
0x5a: {  	_ =	shalt  }
0x5b: {  	_ =	shalt  }
0x5c: {  	_ =	shalt  }
0x5d: {  	_ =	shalt  }
0x5e: {  	_ =	shalt  }
0x5f: {  	_ =	shalt  }
0x60: {  	_ =	shalt  }
0x61: {  	_ =	shalt  }
0x62: {  	_ =	shalt  }
0x63: {  	_ =	shalt  }
0x64: {  	_ =	shalt  }
0x65: {  	_ =	shalt  }
0x66: {  	_ =	shalt  }
0x67: {  	_ =	shalt  }
0x68: {  	_ =	shalt  }
0x69: {  	_ =	shalt  }
0x6a: {  	_ =	shalt  }
0x6b: {  	_ =	shalt  }
0x6c: {  	_ =	shalt  }
0x6d: {  	_ =	shalt  }
0x6e: {  	_ =	shalt  }
0x6f: {  	_ =	shalt  }
0x70: {  	_ =	shalt  }
0x71: {  	_ =	shalt  }
0x72: {  	_ =	shalt  }
0x73: {  	_ =	shalt  }
0x74: {  	_ =	shalt  }
0x75: {  	_ =	shalt  }
0x76: {  	_ =	shalt  }
0x77: {  	_ =	shalt  }
0x78: {  	_ =	shalt  }
0x79: {  	_ =	shalt  }
0x7a: {  	_ =	shalt  }
0x7b: {  	_ =	shalt  }
0x7c: {  	_ =	shalt  }
0x7d: {  	_ =	shalt  }
0x7e: {  	_ =	shalt  }
0x7f: {  	_ =	shalt  }
0x80: {  	_ =	shalt  }
0x81: {  	_ =	shalt  }
0x82: {  	_ =	shalt  }
0x83: {  	_ =	shalt  }
0x84: {  	_ =	shalt  }
0x85: {  	_ =	shalt  }
0x86: {  	_ =	shalt  }
0x87: {  	_ =	shalt  }
.Lfunc_end0:
.L_simem_size_0:
called_computation_lowered:
.L_overlay_start_0:
0x88: {  	s2 =	sld [smem:$0x3FD9]  }
0x89: {  	s3 =	sld [smem:$0x3FFE];
	_ =	sdelay $0x1  }
0x8a: {  	s1 =	srdreg.scid  }
0x8b: {  	s0 =	sand.u32 $0x1, s1  }
0x8c: {  	s17 =	sshll.u32 s0, $0xA;
	s2 =	sadd.s32 s3, s2  }
0x8d: {  	s2 =	sadd.s32 s2, s17  }
0x8e: {  	[smem:$0x3FBE] =	sst s2  }
0x8f: {  	_ = 	snop  }
0x90: {  	s2 =	sld [smem:$0x3FC7]  }
0x91: {  	s18 =	sld [smem:$0x3FD0];
	(tm) =	ssettm $0x1  }
0x92: {  	s4 =	sld [smem:$0x3FFB];
	_ =	sdelay $0x3  }
0x93: {  	_ =	strace s4  }
0x94: {  	s4 =	sld [smem:$0x3FFC];
	_ =	sdelay $0x3  }
0x95: {  	_ =	strace s4  }
0x96: {  	s4 =	sld [smem:$0x3FFD];
	_ =	sdelay $0x3  }
0x97: {  	_ =	strace s4  }
0x98: {  	_ =	strace $0x8FFFFFFF  }
0x99: {  	s19 =	sld [smem:$0x3FDB];
	_ =	sdelay $0x1  }
0x9a: {  	s5 =	simm.s32 $_scs_section_size  }
0x9b: {  	s6 =	simm.s32 $_size__tile_overlayer_lowered;
	s7 =	simm.s32 $_tile_overlayer_lowered  }
0x9c: {  	s22 =	simm.s32 $0x1BFF;
	s21 =	sshll.u32 s7, $0x1;
	s4 =	sadd.s32 s5, s19  }
0x9d: {  	s8 =	simm.s32 $0x0;
	s20 =	sshll.u32 s6, $0x1;
	s6 =	sadd.s32 s21, s4  }
0x9e: {  	[timem:s8], [sflag:s22] =	dma.local [hbm:s6], s20  }
0x9f: {  	_ =	swait.ge [sflag:s22], s20  }
0xa0: {  	s5 =	ssub.s32 $0x0, s20;
	[sflag:s22] =	ssyncset.done $0x0  }
0xa1: {  	[sflag:s22] =	ssyncadd.s32 s5;
	_ =	sdelay $0x1  }
0xa2: {  	s23 =	simm.s32 $0x1B8B  }
0xa3: {  	_ =	swait.ge [sflag:s23], $0x1  }
0xa4: {  	[sflag:s23] =	ssyncset.done $0x0  }
0xa5: {  	s25 =	simm.s32 $0x1B8E;
	s24 =	sld [smem:$0x3FFE];
	[sflag:s23] =	ssyncadd.s32 $0xFFFFFFFF  }
0xa6: {  	s26 =	simm.s32 $execute0_lowered;
	[smem:$0x3FD2] =	sst s25  }
0xa7: {  	s6 =	sshll.u32 s26, $0x1;
	_ =	strace $0x80000046;
	[dreg:$0x1] =	wrdreg $0xFFFFFFFF  }
0xa8: {  	s28 =	simm.s32 $_size_execute0_lowered;
	s4 =	sadd.s32 s4, s6;
	[dreg:$0x0] =	wrdreg $0x0  }
0xa9: {  	s6 =	sshll.u32 s28, $0x1;
	[dreg:$0x2] =	wrdreg s4  }
0xaa: {  	[dreg:$0x3] =	wrdreg s6  }
0xab: {  	[dreg:$0x4] =	wrdreg $0xC0  }
0xac: {  	_ =	task [dreg:s8], $0x5FFFF  }
0xad: {  	[dreg:$0x1] =	wrdreg $0xFFFFFFFF  }
0xae: {  	[dreg:$0x0] =	wrdreg $0x60  }
0xaf: {  	[dreg:$0x2] =	wrdreg s2  }
0xb0: {  	[dreg:$0x3] =	wrdreg s18  }
0xb1: {  	[dreg:$0x4] =	wrdreg s24  }
0xb2: {  	[dreg:$0x5] =	wrdreg $0x9  }
0xb3: {  	_ =	task.clear_ibuf [dreg:s8], $0x6FFFF;
	_ =	strace $0x90000046  }
0xb4: {  	s29 =	simm.s32 $0x9;
	_ =	strace $0x80000048  }
0xb5: {  	_ =	swait.ge [sflag:s29], $0x1  }
0xb6: {  	[sflag:s29] =	ssyncadd.s32 $0xFFFFFFFF  }
0xb7: {  	_ =	strace $0x90000048  }
0xb8: {  	_ =	sfence  }
0xb9: {  	s30 =	sld [smem:$0x0];
	_ =	sdelay $0x2  }
0xba: {  	s31 =	sshll.u32 s1, $0xD;
	s1 =	sshrl.u32 s1, $0x2  }
0xbb: {  	s3 =	sand.u32 $0x4000, s31;
	s1 =	sadd.s32 s1, s30  }
0xbc: {  	s0 =	sor.u32 s3, s0;
	s1 =	sshll.u32 s1, $0x11  }
0xbd: {  	s0 =	sor.u32 s1, s0  }
0xbe: {  	s0 =	sadd.s32 $0x8F2B, s0  }
0xbf: {  	[sflag:s0] =	ssyncadd.remote.s32 $0x1  }
0xc0: {  	_ =	sfence.sel $0xFFFF  }
0xc1: {  	[dreg:$0x0] =	wrdreg $0xFFFFFFFF;
	(pc) =	sbr.abs _section_cstart, $3  }
0xc2: {  	[dreg:$0x1] =	wrdreg $0xFFFFFFFF  }
0xc3: {  	_ =	task.clear_ibuf [dreg:s8], $0x2FFFF;
	_ =	strace $0x9FFFFFFF  }
0xc4: {  	(tm) =	ssettm $0x7FFFFFFF  }
0xc5: {  	_ =	shalt  }
tec
execute0_lowered:
.L_overlay_start_1:
0x0: {  	(tag) =	ssettag $0x1  }
0x1: {  	s1 =	rddreg [dreg:$0x0]  }
0x2: {  	s4 =	rddreg [dreg:$0x1]  }
0x3: {  	s5 =	rddreg [dreg:$0x2]  }
0x4: {  	s0 =	rddreg [dreg:$0x3];
	s6 =	srdreg.scid  }
0x5: {  	s2 =	stileid.u32;
	s3 =	simm.s32 $0x0;
	s13 =	simm.s32 $0x1  }
0x6: {  	s14 =	simm.s32 $0x3;
	s15 =	simm.s32 $0x2;
	s16 =	simm.s32 $0x4  }
0x7: {  	s17 =	simm.s32 $0x0;
	s6 =	sand.u32 $0x1, s6;
	s7 =	sshll.u32 s2, $0x1  }
0x8: {  	[smem:$0x7FF] =	sst s3;
	s31 =	smul.u32 $0x50A00, s2;
	s7 =	sor.u32 s6, s7  }
0x9: {  	s10 =	sadd.s32 $0x1600, s5;
	s8 =	ssub.s32 $0x2, s6;
	s9 =	smul.u32 $0x142800, s7  }
0xa: {  	_ =	strace $0x80000047;
	s29 =	sshrl.u32 s8, $0x1;
	s7 =	smul.u32 $0x2850, s7  }
0xb: {  	s12 =	smul.u32 $0x28500, s6;
	s8 =	ssub.s32 s8, s29;
	s30 =	sshrl.u32 s9, $0x3  }
0xc: {  	s7 =	sshrl.u32 s7, $0x3;
	s9 =	sadd.s32 s31, s10;
	s11 =	sadd.s32 s10, s30  }
0xd: {  	s4 =	sadd.s32 s4, s7;
	s7 =	smax.u32 s8, $0x1;
	s8 =	sadd.s32 s12, s9  }
0xe: {  	s9 =	simm.s32 $0x5;
	s10 =	simm.s32 $0x158;
	s12 =	simm.s32 $0xD480  }
0xf: {  	s5 =	sadd.s32 $0x25A00, s11;
	s6 =	sadd.s32 $0x26F80, s11;
	s11 =	simm.s32 $0x2880  }
.LBB2_1:
0x10: {  	[tilespmem:s3], [sflag:$0x5] =	stream.linear.gather [hbm4b:s4+s3], $0x2850, $0x38;
	[tilespmem:$0x18080] =	vst v63  }
0x11: {  	_ =	swait.ge [sflag:s9], $0x2850  }
0x12: {  	[sflag:s9] =	ssyncset.done $0x0  }
0x13: {  	[sflag:s9] =	ssyncadd.s32 $0xFFFFD7B0  }
0x14: {  	[tilespmem:s11], [sflag:$0x1] =	stream.indirect.gather [hbm4b:s1+s10], $0x80, s3, s10, $0xb8;
	[tilespmem:$0x18080] =	vst v63  }
0x15: {  	_ = 	snop  }
0x16: {  	[tilespmem:s12], [sflag:$0x2] =	stream.indirect.gather [hbm4b:s1+s10], $0x80, s10, s10, $0xb8;
	[tilespmem:$0x18080] =	vst v63  }
0x17: {  	_ =	swait.ge [sflag:s13], $0xAC00  }
0x18: {  	[sflag:s13] =	ssyncset.done $0x0  }
0x19: {  	s18 =	sadd.s32 $0x0, s8;
	[sflag:s13] =	ssyncadd.s32 $0xFFFF5400  }
0x1a: {  	[hbm4b:s18+s3] =	stream.linear.scatter [tilespmem:s11], [sflag:$0x3], $0xAC00, $0x38;
	[tilespmem:$0x18080] =	vst v63  }
0x1b: {  	_ =	swait.ge [sflag:s14], $0xAC00  }
0x1c: {  	[sflag:s14] =	ssyncset.done $0x0  }
0x1d: {  	s19 =	simm.s32 $0x2B0;
	[sflag:s14] =	ssyncadd.s32 $0xFFFF5400  }
0x1e: {  	[tilespmem:s11], [sflag:$0x1] =	stream.indirect.gather [hbm4b:s1+s10], $0x80, s19, s10, $0xb8;
	[tilespmem:$0x18080] =	vst v63  }
0x1f: {  	_ =	swait.ge [sflag:s15], $0xAC00  }
0x20: {  	[sflag:s15] =	ssyncset.done $0x0  }
0x21: {  	s18 =	sadd.s32 $0x1580, s18;
	[sflag:s15] =	ssyncadd.s32 $0xFFFF5400  }
0x22: {  	[hbm4b:s18+s3] =	stream.linear.scatter [tilespmem:s12], [sflag:$0x4], $0xAC00, $0x38;
	[tilespmem:$0x18080] =	vst v63  }
0x23: {  	_ =	swait.ge [sflag:s16], $0xAC00  }
0x24: {  	s20 =	simm.s32 $0x6B8;
	[sflag:s16] =	ssyncset.done $0x0  }
0x25: {  	s19 =	simm.s32 $0x2B00;
	s18 =	simm.s32 $0x408;
	[sflag:s16] =	ssyncadd.s32 $0xFFFF5400  }
.LBB2_2:
0x26: {  	[tilespmem:s12], [sflag:$0x2] =	stream.indirect.gather [hbm4b:s1+s10], $0x80, s18, s10, $0xb8;
	[tilespmem:$0x18080] =	vst v63  }
0x27: {  	s21 =	smov.u32 s19;
	s18 =	smov.u32 s20  }
0x28: {  	p0 =	sne.s32 s19, $0x22F00;
	s19 =	sadd.s32 $0x2B00, s19;
	_ =	swait.ge [sflag:s13], $0xAC00  }
0x29: {  	[sflag:s13] =	ssyncset.done $0x0  }
0x2a: {  	s21 =	sadd.s32 s21, s8;
	[sflag:s13] =	ssyncadd.s32 $0xFFFF5400  }
0x2b: {  	[hbm4b:s21+s3] =	stream.linear.scatter [tilespmem:s11], [sflag:$0x3], $0xAC00, $0x38;
	[tilespmem:$0x18080] =	vst v63  }
0x2c: {  	_ =	swait.ge [sflag:s14], $0xAC00  }
0x2d: {  	[sflag:s14] =	ssyncset.done $0x0  }
0x2e: {  	s22 =	sadd.s32 $0xFFFFFEA8, s20;
	[sflag:s14] =	ssyncadd.s32 $0xFFFF5400  }
0x2f: {  	[tilespmem:s11], [sflag:$0x1] =	stream.indirect.gather [hbm4b:s1+s10], $0x80, s22, s10, $0xb8;
	[tilespmem:$0x18080] =	vst v63  }
0x30: {  	_ =	swait.ge [sflag:s15], $0xAC00  }
0x31: {  	[sflag:s15] =	ssyncset.done $0x0  }
.Ltmp0:
0x32: {  	s21 =	sadd.s32 $0x1580, s21;
	[sflag:s15] =	ssyncadd.s32 $0xFFFF5400;
	(pc) =	sbr.rel @p0 .LBB2_2-.Ltmp0, $4  }
0x33: {  	[hbm4b:s21+s3] =	stream.linear.scatter [tilespmem:s12], [sflag:$0x4], $0xAC00, $0x38;
	[tilespmem:$0x18080] =	vst v63  }
0x34: {  	_ =	swait.ge [sflag:s16], $0xAC00  }
0x35: {  	[sflag:s16] =	ssyncset.done $0x0  }
0x36: {  	s20 =	sadd.s32 $0x2B0, s20;
	[sflag:s16] =	ssyncadd.s32 $0xFFFF5400  }
0x37: {  	[tilespmem:s12], [sflag:$0x2] =	stream.indirect.gather [hbm4b:s1+s10], $0x80, s18, s10, $0xb8;
	[tilespmem:$0x18080] =	vst v63  }
0x38: {  	_ =	swait.ge [sflag:s13], $0xAC00  }
0x39: {  	[sflag:s13] =	ssyncset.done $0x0  }
0x3a: {  	[sflag:s13] =	ssyncadd.s32 $0xFFFF5400  }
0x3b: {  	[hbm4b:s5+s3] =	stream.linear.scatter [tilespmem:s11], [sflag:$0x3], $0xAC00, $0x38;
	[tilespmem:$0x18080] =	vst v63  }
0x3c: {  	_ =	swait.ge [sflag:s14], $0xAC00  }
0x3d: {  	[sflag:s14] =	ssyncset.done $0x0  }
0x3e: {  	[sflag:s14] =	ssyncadd.s32 $0xFFFF5400  }
0x3f: {  	s17 =	sadd.s32 $0x1, s17;
	_ =	swait.ge [sflag:s15], $0xAC00  }
0x40: {  	p0 =	sne.s32 s17, s7;
	[sflag:s15] =	ssyncset.done $0x0  }
.Ltmp1:
0x41: {  	[sflag:s15] =	ssyncadd.s32 $0xFFFF5400;
	(pc) =	sbr.rel @p0 .LBB2_1-.Ltmp1, $4  }
0x42: {  	[hbm4b:s6+s3] =	stream.linear.scatter [tilespmem:s12], [sflag:$0x4], $0xAC00, $0x38;
	[tilespmem:$0x18080] =	vst v63  }
0x43: {  	_ =	swait.ge [sflag:s16], $0xAC00  }
0x44: {  	[sflag:s16] =	ssyncset.done $0x0  }
0x45: {  	[sflag:s16] =	ssyncadd.s32 $0xFFFF5400  }
0x46: {  	_ =	sfence.sel $0x180000  }
0x47: {  	[bflag:$0x0] =	sbarrier.arrive $0xFFFF  }
0x48: {  	p0 =	sne.s32 s2, $0x0;
	_ =	strace $0x90000047  }
0x49: {  	s0 =	sadd.s32 @!p0 $0x100000, s0;
	[bflag:$0x2] =	sbarrier.arrive $0xFFFF  }
0x4a: {  	[sflag:s0] =	ssyncadd.tile.s32 @!p0 $0x1;
	_ =	shalt  }
.Lfunc_end2:
_tile_overlayer_lowered:
.L_overlay_start_2:
0x4b: {  	(tag) =	ssettag $0x2  }
0x4c: {  	s0 =	rddreg [dreg:$0x0];
	s2 =	stileid.u32  }
0x4d: {  	s1 =	rddreg [dreg:$0x1];
	p0 =	sne.s32 s2, $0x0  }
0x4e: {  	s3 =	rddreg [dreg:$0x2];
	[bflag:$0x3] =	sbarrier.arrive $0xFFFF;
	s2 =	simm.s32 @!p0 $0x1C05  }
0x4f: {  	[timem:s3], [sflag:s2] =	dma.local @!p0 [hbm:s0], s1  }
0x50: {  	s0 =	simm.s32 @!p0 $0x5  }
0x51: {  	_ =	swait.ge @!p0 [sflag:s0], s1  }
0x52: {  	s1 =	ssub.s32 @!p0 $0x0, s1;
	[sflag:s0] =	ssyncset.done @!p0 $0x0  }
0x53: {  	[sflag:s0] =	ssyncadd.s32 @!p0 s1  }
0x54: {  	[bflag:$0x3] =	sbarrier.arrive $0xFFFF  }
0x55: {  	_ =	shalt  }

</sc_bundles>
